<compile_context>
chip_gen: v7x
topology: tpu7x:2x2x1
jax: 0.10.2.dev20260603
libtpu: 0.0.44.dev20260713+nightly
codegen_flags: <defaults>
</compile_context>

<pallas_src>
import functools

import jax
import jax.numpy as jnp
from jax import lax
from jax.experimental import pallas as pl
from jax.experimental.pallas import tpu as pltpu
from jax.experimental.pallas import tpu_sc as plsc

B = 16384
EMB = 32
NC, NS = 2, 16
NW = NC * NS
BPW = B // NW
BLK = 2048

_mesh = plsc.VectorSubcoreMesh(core_axis_name="c", subcore_axis_name="s")


@functools.partial(
    pl.kernel, mesh=_mesh,
    out_type=[jax.ShapeDtypeStruct((B, EMB), jnp.float32)] * 5,
    compiler_params=pltpu.CompilerParams(use_tc_tiling_on_sc=False),
    scratch_types=(
        [pltpu.VMEM((BPW,), jnp.int32)] * 5
        + [pltpu.VMEM((BPW, EMB), jnp.float32)] * 5
        + [pltpu.SemaphoreType.DMA] * 3
    ),
)
def _sc_gather(si, gi, oi, ui, mi, st, gt, ot, ut, mt,
               o0, o1, o2, o3, o4,
               i0, i1, i2, i3, i4, r0, r1, r2, r3, r4,
               sem_i, sem_g, sem_s):
    wid = lax.axis_index("s") * NC + lax.axis_index("c")
    base = wid * BPW
    idxs = (si, gi, oi, ui, mi)
    tabs = (st, gt, ot, ut, mt)
    outs = (o0, o1, o2, o3, o4)
    ivs = (i0, i1, i2, i3, i4)
    rvs = (r0, r1, r2, r3, r4)
    pltpu.async_copy(idxs[0].at[pl.ds(base, BPW)], ivs[0], sem_i).wait()
    pltpu.async_copy(rvs[0], outs[0].at[pl.ds(base, BPW)], sem_s).wait()


def _mlp_body(e0_ref, e1_ref, e2_ref, e3_ref, e4_ref,
              w1_ref, b1_ref, w2_ref, b2_ref, w3_ref, b3_ref, out_ref):
    ec = jnp.concatenate([e0_ref[...], e1_ref[...], e2_ref[...],
                          e3_ref[...], e4_ref[...]], axis=1)
    h1 = jnp.maximum(
        jnp.dot(ec, w1_ref[...], preferred_element_type=jnp.float32)
        + b1_ref[...], 0.0)
    h2 = jnp.maximum(
        jnp.dot(h1, w2_ref[...], preferred_element_type=jnp.float32)
        + b2_ref[...], 0.0)
    out_ref[...] = (jnp.dot(h2, w3_ref[...], preferred_element_type=jnp.float32)
                    + b3_ref[...])


@jax.jit
def kernel(school_idx, grade_idx, goal_idx, subject_idx, method_idx,
           school_table, grade_table, goal_table, subject_table, method_table,
           W1, b1, W2, b2, W3, b3):
    idxs = [i.astype(jnp.int32)
            for i in (school_idx, grade_idx, goal_idx, subject_idx,
                      method_idx)]
    e = _sc_gather(*idxs, school_table, grade_table, goal_table,
                   subject_table, method_table)

    grid = B // BLK
    eb_spec = pl.BlockSpec((BLK, EMB), lambda i: (i, 0))
    full = lambda s: pl.BlockSpec(s, lambda i: tuple(0 for _ in s))
    out = pl.pallas_call(
        _mlp_body,
        grid=(grid,),
        in_specs=[eb_spec] * 5 + [
            full((5 * EMB, 256)), full((1, 256)),
            full((256, 128)), full((1, 128)),
            full((128, 32)), full((1, 32)),
        ],
        out_specs=pl.BlockSpec((BLK, 32), lambda i: (i, 0)),
        out_shape=jax.ShapeDtypeStruct((B, 32), jnp.float32),
        compiler_params=pltpu.CompilerParams(
            dimension_semantics=("arbitrary",)),
    )(*e, W1, b1.reshape(1, 256), W2, b2.reshape(1, 128),
      W3, b3.reshape(1, 32))
    return out

# --- scband reference (transcript-rebuilt; emitter-appended) ---
"""Pipeline reference for scband-student-tower-13494787244041 (READ-ONLY COPY).

The authoritative reference and input builder live on the scoring server;
editing this copy changes nothing except your own understanding.
"""

import jax, jax.numpy as jnp
import numpy as np

B = 16384
EMB = 32
VOCABS = {"school": 52, "grade": 14, "goal": 12, "subject": 14, "method": 8}

def setup_inputs(seed: int = 0) -> dict:
    key = jax.random.key(seed)
    ks = jax.random.split(key, 16)
    d = {}
    d["school_idx"] = jax.random.randint(ks[0], (B,), 0, VOCABS["school"])
    d["grade_idx"] = jax.random.randint(ks[1], (B,), 0, VOCABS["grade"])
    d["goal_idx"] = jax.random.randint(ks[2], (B,), 0, VOCABS["goal"])
    d["subject_idx"] = jax.random.randint(ks[3], (B,), 0, VOCABS["subject"])
    d["method_idx"] = jax.random.randint(ks[4], (B,), 0, VOCABS["method"])
    d["school_table"] = jax.random.normal(ks[5], (VOCABS["school"], EMB), dtype=jnp.float32) * 0.05
    d["grade_table"] = jax.random.normal(ks[6], (VOCABS["grade"], EMB), dtype=jnp.float32) * 0.05
    d["goal_table"] = jax.random.normal(ks[7], (VOCABS["goal"], EMB), dtype=jnp.float32) * 0.05
    d["subject_table"] = jax.random.normal(ks[8], (VOCABS["subject"], EMB), dtype=jnp.float32) * 0.05
    d["method_table"] = jax.random.normal(ks[9], (VOCABS["method"], EMB), dtype=jnp.float32) * 0.05
    d["W1"] = jax.random.normal(ks[10], (160, 256), dtype=jnp.float32) * (1.0 / np.sqrt(160.0))
    d["b1"] = jnp.zeros((256,), dtype=jnp.float32)
    d["W2"] = jax.random.normal(ks[11], (256, 128), dtype=jnp.float32) * (1.0 / np.sqrt(256.0))
    d["b2"] = jnp.zeros((128,), dtype=jnp.float32)
    d["W3"] = jax.random.normal(ks[12], (128, 32), dtype=jnp.float32) * (1.0 / np.sqrt(128.0))
    d["b3"] = jnp.zeros((32,), dtype=jnp.float32)
    return d

def reference(school_idx, grade_idx, goal_idx, subject_idx, method_idx,
              school_table, grade_table, goal_table, subject_table, method_table,
              W1, b1, W2, b2, W3, b3):
    # StringLookup replaced by integer indices (equivalent post-lookup ids).
    school_e = jnp.take(school_table, school_idx, axis=0)
    grade_e = jnp.take(grade_table, grade_idx, axis=0)
    goal_e = jnp.take(goal_table, goal_idx, axis=0)
    subject_e = jnp.take(subject_table, subject_idx, axis=0)
    method_e = jnp.take(method_table, method_idx, axis=0)
    concatenated = jnp.concatenate([school_e, grade_e, goal_e, subject_e, method_e], axis=-1)
    h = jax.nn.relu(concatenated @ W1 + b1)
    # dropout is identity at inference
    h = jax.nn.relu(h @ W2 + b2)
    out = h @ W3 + b3
    return out

if __name__ == "__main__":
    import jax
    _d = setup_inputs()
    print(jax.jit(kernel)(*tuple(_d.values())))

</pallas_src>

<mosaic_0001>
#map = affine_map<(d0, d1) -> (0)>
#map1 = affine_map<(d0, d1) -> (0, 0)>
module attributes {stable_mosaic.version = 14 : i64} {
  func.func @_sc_gather(%arg0: i32, %arg1: i32, %arg2: memref<16384xi32, #tpu.memory_space<hbm>>, %arg3: memref<16384xi32, #tpu.memory_space<hbm>>, %arg4: memref<16384xi32, #tpu.memory_space<hbm>>, %arg5: memref<16384xi32, #tpu.memory_space<hbm>>, %arg6: memref<16384xi32, #tpu.memory_space<hbm>>, %arg7: memref<52x32xf32, #tpu.memory_space<hbm>>, %arg8: memref<14x32xf32, #tpu.memory_space<hbm>>, %arg9: memref<12x32xf32, #tpu.memory_space<hbm>>, %arg10: memref<14x32xf32, #tpu.memory_space<hbm>>, %arg11: memref<8x32xf32, #tpu.memory_space<hbm>>, %arg12: memref<16384x32xf32, #tpu.memory_space<hbm>>, %arg13: memref<16384x32xf32, #tpu.memory_space<hbm>>, %arg14: memref<16384x32xf32, #tpu.memory_space<hbm>>, %arg15: memref<16384x32xf32, #tpu.memory_space<hbm>>, %arg16: memref<16384x32xf32, #tpu.memory_space<hbm>>, %arg17: memref<512xi32, #tpu.memory_space<vmem>>, %arg18: memref<512xi32, #tpu.memory_space<vmem>>, %arg19: memref<512xi32, #tpu.memory_space<vmem>>, %arg20: memref<512xi32, #tpu.memory_space<vmem>>, %arg21: memref<512xi32, #tpu.memory_space<vmem>>, %arg22: memref<512x32xf32, #tpu.memory_space<vmem>>, %arg23: memref<512x32xf32, #tpu.memory_space<vmem>>, %arg24: memref<512x32xf32, #tpu.memory_space<vmem>>, %arg25: memref<512x32xf32, #tpu.memory_space<vmem>>, %arg26: memref<512x32xf32, #tpu.memory_space<vmem>>, %arg27: memref<!tpu.dma_semaphore, #tpu.memory_space<semaphore_mem>>, %arg28: memref<!tpu.dma_semaphore, #tpu.memory_space<semaphore_mem>>, %arg29: memref<!tpu.dma_semaphore, #tpu.memory_space<semaphore_mem>>) attributes {dimension_semantics = [#tpu.dimension_semantics<core_parallel>, #tpu.dimension_semantics<subcore_parallel>], iteration_bounds = array<i64: 2, 16>, scalar_prefetch = 0 : i64, scratch_operands = 13 : i64, tpu.core_type = #tpu.core_type<sc_vector_subcore>, window_params = [{transform_indices = #map}, {transform_indices = #map}, {transform_indices = #map}, {transform_indices = #map}, {transform_indices = #map}, {transform_indices = #map1}, {transform_indices = #map1}, {transform_indices = #map1}, {transform_indices = #map1}, {transform_indices = #map1}, {transform_indices = #map1}, {transform_indices = #map1}, {transform_indices = #map1}, {transform_indices = #map1}, {transform_indices = #map1}]} {
    %mul3A = arith.constant 2 : i32
    %mul3A_0 = arith.muli %arg1, %mul3A : i32
    %add3A = arith.addi %mul3A_0, %arg0 : i32
    %mul3A_1 = arith.constant 512 : i32
    %mul3A_2 = arith.muli %add3A, %mul3A_1 : i32
    %dma_start3A = tpu.memref_slice %arg2[%mul3A_2] : memref<16384xi32, #tpu.memory_space<hbm>> -> memref<512xi32, #tpu.memory_space<hbm>>
    %dma_start3A_3 = tpu.memref_slice %arg2[%mul3A_2] : memref<16384xi32, #tpu.memory_space<hbm>> -> memref<512xi32, #tpu.memory_space<hbm>>
    tpu.enqueue_dma source(%dma_start3A_3 : memref<512xi32, #tpu.memory_space<hbm>>) target(%arg17 : memref<512xi32, #tpu.memory_space<vmem>>) target_semaphore(%arg27 : memref<!tpu.dma_semaphore, #tpu.memory_space<semaphore_mem>>)
    %dma_wait3A = tpu.memref_slice %arg2[%mul3A_2] : memref<16384xi32, #tpu.memory_space<hbm>> -> memref<512xi32, #tpu.memory_space<hbm>>
    %dma_wait3A_4 = tpu.memref_slice %arg2[%mul3A_2] : memref<16384xi32, #tpu.memory_space<hbm>> -> memref<512xi32, #tpu.memory_space<hbm>>
    tpu.wait_dma2 semaphore(%arg27 : memref<!tpu.dma_semaphore, #tpu.memory_space<semaphore_mem>>) src(%dma_wait3A_4 : memref<512xi32, #tpu.memory_space<hbm>>) dst(%arg17 : memref<512xi32, #tpu.memory_space<vmem>>)
    %dma_start3A_5 = arith.constant 0 : i32
    %dma_start3A_6 = tpu.memref_slice %arg12[%mul3A_2, %dma_start3A_5] : memref<16384x32xf32, #tpu.memory_space<hbm>> -> memref<512x32xf32, #tpu.memory_space<hbm>>
    %dma_start3A_7 = arith.constant 0 : i32
    %dma_start3A_8 = tpu.memref_slice %arg12[%mul3A_2, %dma_start3A_7] : memref<16384x32xf32, #tpu.memory_space<hbm>> -> memref<512x32xf32, #tpu.memory_space<hbm>>
    tpu.enqueue_dma source(%arg22 : memref<512x32xf32, #tpu.memory_space<vmem>>) target(%dma_start3A_8 : memref<512x32xf32, #tpu.memory_space<hbm>>) target_semaphore(%arg29 : memref<!tpu.dma_semaphore, #tpu.memory_space<semaphore_mem>>)
    %dma_wait3A_9 = arith.constant 0 : i32
    %dma_wait3A_10 = tpu.memref_slice %arg12[%mul3A_2, %dma_wait3A_9] : memref<16384x32xf32, #tpu.memory_space<hbm>> -> memref<512x32xf32, #tpu.memory_space<hbm>>
    %dma_wait3A_11 = arith.constant 0 : i32
    %dma_wait3A_12 = tpu.memref_slice %arg12[%mul3A_2, %dma_wait3A_11] : memref<16384x32xf32, #tpu.memory_space<hbm>> -> memref<512x32xf32, #tpu.memory_space<hbm>>
    tpu.wait_dma2 semaphore(%arg29 : memref<!tpu.dma_semaphore, #tpu.memory_space<semaphore_mem>>) src(%arg22 : memref<512x32xf32, #tpu.memory_space<vmem>>) dst(%dma_wait3A_12 : memref<512x32xf32, #tpu.memory_space<hbm>>)
    return
  }
}

module attributes {stable_mosaic.version = 14 : i64} {
  func.func @_mlp_body(%arg0: i32, %arg1: memref<2048x32xf32, #tpu.memory_space<vmem>>, %arg2: memref<2048x32xf32, #tpu.memory_space<vmem>>, %arg3: memref<2048x32xf32, #tpu.memory_space<vmem>>, %arg4: memref<2048x32xf32, #tpu.memory_space<vmem>>, %arg5: memref<2048x32xf32, #tpu.memory_space<vmem>>, %arg6: memref<160x256xf32, #tpu.memory_space<vmem>>, %arg7: memref<1x256xf32, #tpu.memory_space<vmem>>, %arg8: memref<256x128xf32, #tpu.memory_space<vmem>>, %arg9: memref<1x128xf32, #tpu.memory_space<vmem>>, %arg10: memref<128x32xf32, #tpu.memory_space<vmem>>, %arg11: memref<1x32xf32, #tpu.memory_space<vmem>>, %arg12: memref<2048x32xf32, #tpu.memory_space<vmem>>) attributes {dimension_semantics = [#tpu.dimension_semantics<arbitrary>], iteration_bounds = array<i64: 8>, scalar_prefetch = 0 : i64, scratch_operands = 0 : i64, tpu.core_type = #tpu.core_type<tc>, window_params = [{transform_indices = @transform_0, window_bounds = array<i64: 2048, 32>}, {transform_indices = @transform_1, window_bounds = array<i64: 2048, 32>}, {transform_indices = @transform_2, window_bounds = array<i64: 2048, 32>}, {transform_indices = @transform_3, window_bounds = array<i64: 2048, 32>}, {transform_indices = @transform_4, window_bounds = array<i64: 2048, 32>}, {pipeline_mode = #tpu.pipeline_mode<synchronous>, transform_indices = @transform_5, window_bounds = array<i64: 160, 256>}, {pipeline_mode = #tpu.pipeline_mode<synchronous>, transform_indices = @transform_6, window_bounds = array<i64: 1, 256>}, {pipeline_mode = #tpu.pipeline_mode<synchronous>, transform_indices = @transform_7, window_bounds = array<i64: 256, 128>}, {pipeline_mode = #tpu.pipeline_mode<synchronous>, transform_indices = @transform_8, window_bounds = array<i64: 1, 128>}, {pipeline_mode = #tpu.pipeline_mode<synchronous>, transform_indices = @transform_9, window_bounds = array<i64: 128, 32>}, {pipeline_mode = #tpu.pipeline_mode<synchronous>, transform_indices = @transform_10, window_bounds = array<i64: 1, 32>}, {transform_indices = @transform_11, window_bounds = array<i64: 2048, 32>}]} {
    %get3A = arith.constant 0 : index
    %get3A_0 = arith.constant 0 : index
    %get3A_1 = vector.load %arg1[%get3A, %get3A_0] : memref<2048x32xf32, #tpu.memory_space<vmem>>, vector<2048x32xf32>
    %get3A_2 = arith.constant 0 : index
    %get3A_3 = arith.constant 0 : index
    %get3A_4 = vector.load %arg2[%get3A_2, %get3A_3] : memref<2048x32xf32, #tpu.memory_space<vmem>>, vector<2048x32xf32>
    %get3A_5 = arith.constant 0 : index
    %get3A_6 = arith.constant 0 : index
    %get3A_7 = vector.load %arg3[%get3A_5, %get3A_6] : memref<2048x32xf32, #tpu.memory_space<vmem>>, vector<2048x32xf32>
    %get3A_8 = arith.constant 0 : index
    %get3A_9 = arith.constant 0 : index
    %get3A_10 = vector.load %arg4[%get3A_8, %get3A_9] : memref<2048x32xf32, #tpu.memory_space<vmem>>, vector<2048x32xf32>
    %get3A_11 = arith.constant 0 : index
    %get3A_12 = arith.constant 0 : index
    %get3A_13 = vector.load %arg5[%get3A_11, %get3A_12] : memref<2048x32xf32, #tpu.memory_space<vmem>>, vector<2048x32xf32>
    %concatenate3A = tpu.concatenate %get3A_1, %get3A_4, %get3A_7, %get3A_10, %get3A_13 in 1 : vector<2048x32xf32>, vector<2048x32xf32>, vector<2048x32xf32>, vector<2048x32xf32>, vector<2048x32xf32> -> vector<2048x160xf32>
    %get3A_14 = arith.constant 0 : index
    %get3A_15 = arith.constant 0 : index
    %get3A_16 = vector.load %arg6[%get3A_14, %get3A_15] : memref<160x256xf32, #tpu.memory_space<vmem>>, vector<160x256xf32>
    %dot_general3A = arith.constant dense<0.000000e+00> : vector<2048x256xf32>
    %dot_general3A_17 = tpu.matmul %concatenate3A, %get3A_16, %dot_general3A {dimension_numbers = #tpu.dot_dimension_numbers<[1], [0], [0], [1], [0, 0, 1, 1], [], []>, transpose_lhs_hint = false} : vector<2048x160xf32>, vector<160x256xf32>, vector<2048x256xf32> -> vector<2048x256xf32>
    %get3A_18 = arith.constant 0 : index
    %get3A_19 = arith.constant 0 : index
    %get3A_20 = vector.load %arg7[%get3A_18, %get3A_19] : memref<1x256xf32, #tpu.memory_space<vmem>>, vector<1x256xf32>
    %add3A = vector.broadcast %get3A_20 : vector<1x256xf32> to vector<2048x256xf32>
    %add3A_21 = arith.addf %dot_general3A_17, %add3A : vector<2048x256xf32>
    %max3A = arith.constant 0.000000e+00 : f32
    %max3A_22 = vector.broadcast %max3A : f32 to vector<2048x256xf32>
    %max3A_23 = arith.maximumf %add3A_21, %max3A_22 : vector<2048x256xf32>
    %get3A_24 = arith.constant 0 : index
    %get3A_25 = arith.constant 0 : index
    %get3A_26 = vector.load %arg8[%get3A_24, %get3A_25] : memref<256x128xf32, #tpu.memory_space<vmem>>, vector<256x128xf32>
    %dot_general3A_27 = arith.constant dense<0.000000e+00> : vector<2048x128xf32>
    %dot_general3A_28 = tpu.matmul %max3A_23, %get3A_26, %dot_general3A_27 {dimension_numbers = #tpu.dot_dimension_numbers<[1], [0], [0], [1], [0, 0, 1, 1], [], []>, transpose_lhs_hint = false} : vector<2048x256xf32>, vector<256x128xf32>, vector<2048x128xf32> -> vector<2048x128xf32>
    %get3A_29 = arith.constant 0 : index
    %get3A_30 = arith.constant 0 : index
    %get3A_31 = vector.load %arg9[%get3A_29, %get3A_30] : memref<1x128xf32, #tpu.memory_space<vmem>>, vector<1x128xf32>
    %add3A_32 = vector.broadcast %get3A_31 : vector<1x128xf32> to vector<2048x128xf32>
    %add3A_33 = arith.addf %dot_general3A_28, %add3A_32 : vector<2048x128xf32>
    %max3A_34 = arith.constant 0.000000e+00 : f32
    %max3A_35 = vector.broadcast %max3A_34 : f32 to vector<2048x128xf32>
    %max3A_36 = arith.maximumf %add3A_33, %max3A_35 : vector<2048x128xf32>
    %get3A_37 = arith.constant 0 : index
    %get3A_38 = arith.constant 0 : index
    %get3A_39 = vector.load %arg10[%get3A_37, %get3A_38] : memref<128x32xf32, #tpu.memory_space<vmem>>, vector<128x32xf32>
    %dot_general3A_40 = arith.constant dense<0.000000e+00> : vector<2048x32xf32>
    %dot_general3A_41 = tpu.matmul %max3A_36, %get3A_39, %dot_general3A_40 {dimension_numbers = #tpu.dot_dimension_numbers<[1], [0], [0], [1], [0, 0, 1, 1], [], []>, transpose_lhs_hint = false} : vector<2048x128xf32>, vector<128x32xf32>, vector<2048x32xf32> -> vector<2048x32xf32>
    %get3A_42 = arith.constant 0 : index
    %get3A_43 = arith.constant 0 : index
    %get3A_44 = vector.load %arg11[%get3A_42, %get3A_43] : memref<1x32xf32, #tpu.memory_space<vmem>>, vector<1x32xf32>
    %add3A_45 = vector.broadcast %get3A_44 : vector<1x32xf32> to vector<2048x32xf32>
    %add3A_46 = arith.addf %dot_general3A_41, %add3A_45 : vector<2048x32xf32>
    %swap3A = arith.constant 0 : index
    %swap3A_47 = arith.constant 0 : index
    %swap3A_48 = vector.load %arg12[%swap3A, %swap3A_47] : memref<2048x32xf32, #tpu.memory_space<vmem>>, vector<2048x32xf32>
    tpu.vector_store %arg12[%swap3A, %swap3A_47], %add3A_46 {strides = array<i32>} : memref<2048x32xf32, #tpu.memory_space<vmem>>, vector<2048x32xf32>,
    return
  }
  func.func @transform_0(%arg0: i32) -> (i32, i32) {
    %c0_i32 = arith.constant 0 : i32
    %c0_i32_0 = arith.constant 0 : i32
    return %arg0, %c0_i32 : i32, i32
  }
  func.func @transform_1(%arg0: i32) -> (i32, i32) {
    %c0_i32 = arith.constant 0 : i32
    %c0_i32_0 = arith.constant 0 : i32
    return %arg0, %c0_i32 : i32, i32
  }
  func.func @transform_2(%arg0: i32) -> (i32, i32) {
    %c0_i32 = arith.constant 0 : i32
    %c0_i32_0 = arith.constant 0 : i32
    return %arg0, %c0_i32 : i32, i32
  }
  func.func @transform_3(%arg0: i32) -> (i32, i32) {
    %c0_i32 = arith.constant 0 : i32
    %c0_i32_0 = arith.constant 0 : i32
    return %arg0, %c0_i32 : i32, i32
  }
  func.func @transform_4(%arg0: i32) -> (i32, i32) {
    %c0_i32 = arith.constant 0 : i32
    %c0_i32_0 = arith.constant 0 : i32
    return %arg0, %c0_i32 : i32, i32
  }
  func.func @transform_5(%arg0: i32) -> (i32, i32) {
    %c0_i32 = arith.constant 0 : i32
    %c0_i32_0 = arith.constant 0 : i32
    %c0_i32_1 = arith.constant 0 : i32
    return %c0_i32, %c0_i32_0 : i32, i32
  }
  func.func @transform_6(%arg0: i32) -> (i32, i32) {
    %c0_i32 = arith.constant 0 : i32
    %c0_i32_0 = arith.constant 0 : i32
    %c0_i32_1 = arith.constant 0 : i32
    return %c0_i32, %c0_i32_0 : i32, i32
  }
  func.func @transform_7(%arg0: i32) -> (i32, i32) {
    %c0_i32 = arith.constant 0 : i32
    %c0_i32_0 = arith.constant 0 : i32
    %c0_i32_1 = arith.constant 0 : i32
    return %c0_i32, %c0_i32_0 : i32, i32
  }
  func.func @transform_8(%arg0: i32) -> (i32, i32) {
    %c0_i32 = arith.constant 0 : i32
    %c0_i32_0 = arith.constant 0 : i32
    %c0_i32_1 = arith.constant 0 : i32
    return %c0_i32, %c0_i32_0 : i32, i32
  }
  func.func @transform_9(%arg0: i32) -> (i32, i32) {
    %c0_i32 = arith.constant 0 : i32
    %c0_i32_0 = arith.constant 0 : i32
    %c0_i32_1 = arith.constant 0 : i32
    return %c0_i32, %c0_i32_0 : i32, i32
  }
  func.func @transform_10(%arg0: i32) -> (i32, i32) {
    %c0_i32 = arith.constant 0 : i32
    %c0_i32_0 = arith.constant 0 : i32
    %c0_i32_1 = arith.constant 0 : i32
    return %c0_i32, %c0_i32_0 : i32, i32
  }
  func.func @transform_11(%arg0: i32) -> (i32, i32) {
    %c0_i32 = arith.constant 0 : i32
    %c0_i32_0 = arith.constant 0 : i32
    return %arg0, %c0_i32 : i32, i32
  }
}

</mosaic_0001>

<sc_bundles>
// kernel: kernel.4.cloned.1.call-start
scs
__scs_entry_jumppad:
0x0: {  	(pc) =	sbr.rel $0x88, $3  }
0x1: {  	(tag) =	ssettag $0x0;
	lr =	simm.s32 $0x1  }
0x2: {  	[smem:$0x3F91] =	sst lr;
	_ =	strace $0xD0000000  }
0x3: {  	_ = 	snop  }
0x4: {  	_ = 	snop  }
0x5: {  	_ = 	snop  }
0x6: {  	_ = 	snop  }
0x7: {  	_ = 	snop  }
__scs_overlays_trampoline_lowered:
0x8: {  	[smem:$0x3FA0] =	sst s0  }
0x9: {  	[smem:$0x3FA1] =	sst s1  }
0xa: {  	[smem:$0x3FA2] =	sst s2  }
0xb: {  	[smem:$0x3FA3] =	sst s3  }
0xc: {  	[smem:$0x3FA4] =	sst s4  }
0xd: {  	[smem:$0x3FA5] =	sst s5  }
0xe: {  	[smem:$0x3FA6] =	sst s6  }
0xf: {  	[smem:$0x3FA7] =	sst s7  }
0x10: {  	[smem:$0x3FA8] =	sst s8  }
0x11: {  	[smem:$0x3FA9] =	sst s9;
	s0 =	simm.s32 @!p0 $0x0  }
0x12: {  	s1 =	sld [smem:$0x3F8F];
	s0 =	simm.s32 @p0 $0x1  }
0x13: {  	[smem:$0x3FAA] =	sst s0;
	s0 =	simm.s32 @!p1 $0x0  }
0x14: {  	s2 =	sld [smem:$0x3F8E];
	s0 =	simm.s32 @p1 $0x1  }
0x15: {  	[smem:$0x3FAB] =	sst s0;
	s0 =	simm.s32 @!p2 $0x0  }
0x16: {  	s3 =	sld [smem:$0x3FDB];
	s0 =	simm.s32 @p2 $0x1  }
0x17: {  	s4 =	simm.s32 $0x1BF5;
	[smem:$0x3FAD] =	sst s0  }
0x18: {  	s0 =	sld [smem:$0x3F90];
	_ =	swait.ge [sflag:s4], $0x0  }
0x19: {  	s7 =	sld [smem:$0x3F91]  }
0x1a: {  	s8 =	sadd.s32 $0xFFFFE003, lr  }
0x1b: {  	s9 =	sadd.s32 $0xFFFFFEF7, lr;
	s5 =	simm.s32 $0xFFFFFFFF;
	p2 =	slt.u32 s8, $0xFFFFF086  }
0x1c: {  	p1 =	slt.u32 s9, $0xF7A;
	s5 =	simm.s32 @!p2 $0x0  }
0x1d: {  	s5 =	simm.s32 @p1 $0x1;
	p0 =	seq.s32 s7, s2  }
0x1e: {  	s7 =	smul.u32 @!p0 $0xF7A, s2;
	p2 =	seq.s32 @!p0 s5, $0x0  }
0x1f: {  	s9 =	smul.u32 $0xF7A, s1;
	s8 =	simm.s32 @!p0 $0x1BF5;
	p2 =	por !p2, p0  }
0x20: {  	[sflag:s8] =	ssyncset.s32 @!p0 $0xFFFFF086;
	s6 =	sadd.s32 @!p0 s3, s7;
	s7 =	simm.s32 @!p0 $0x108  }
0x21: {  	s3 =	sadd.s32 s3, s9;
	s6 =	sadd.s32 @!p0 $0x88, s6;
	s7 =	simm.s32 @p2 $0x1082  }
0x22: {  	[simem:s7], [sflag:s8] =	dma.local @!p0 [hbm:s6], $0xF7A  }
0x23: {  	s9 =	sor.u32 $0xD0000000, s2;
	s6 =	simm.s32 $0x108;
	_ =	swait.ge @!p0 [sflag:s8], $0x0  }
0x24: {  	s3 =	sadd.s32 $0x88, s3;
	s6 =	simm.s32 @!p1 $0x1082;
	[sflag:s4] =	ssyncset.s32 $0xFFFFF086  }
0x25: {  	[simem:s6], [sflag:s4] =	dma.local [hbm:s3], $0xF7A  }
0x26: {  	[smem:$0x3F91] =	sst s1;
	(tag) =	ssettag s2;
	_ =	strace s9  }
0x27: {  	s1 =	sld [smem:$0x3FA1]  }
0x28: {  	s2 =	sld [smem:$0x3FA2]  }
0x29: {  	s4 =	sld [smem:$0x3FA4]  }
0x2a: {  	p0 =	seq.s32 s5, $0x0;
	s5 =	sld [smem:$0x3FA5]  }
0x2b: {  	s6 =	sld [smem:$0x3FA6]  }
0x2c: {  	s7 =	sld [smem:$0x3FA7]  }
0x2d: {  	s3 =	simm.s32 $0x108;
	s8 =	sld [smem:$0x3FA8]  }
0x2e: {  	s3 =	simm.s32 @!p0 $0x1082;
	s9 =	sld [smem:$0x3FA9]  }
0x2f: {  	lr =	sadd.s32 s0, s3;
	s0 =	sld [smem:$0x3FA0]  }
0x30: {  	s3 =	sld [smem:$0x3FA3]  }
0x31: {  	[smem:$0x3FAC] =	sst s10  }
0x32: {  	s10 =	sld [smem:$0x3FAA];
	_ =	sdelay $0x3  }
0x33: {  	p0 =	seq.s32 s10, $0x1;
	s10 =	sld [smem:$0x3FAC];
	_ =	sdelay $0x3  }
0x34: {  	[smem:$0x3FAC] =	sst s10  }
0x35: {  	s10 =	sld [smem:$0x3FAB];
	_ =	sdelay $0x3  }
0x36: {  	p1 =	seq.s32 s10, $0x1;
	s10 =	sld [smem:$0x3FAC];
	_ =	sdelay $0x3  }
0x37: {  	[smem:$0x3FAC] =	sst s10  }
0x38: {  	s10 =	sld [smem:$0x3FAD]  }
0x39: {  	_ = 	snop;
	(pc) =	sbr.ind lr, $3  }
0x3a: {  	_ = 	snop  }
0x3b: {  	_ = 	snop  }
0x3c: {  	p2 =	seq.s32 s10, $0x1;
	s10 =	sld [smem:$0x3FAC]  }
0x3d: {  	_ =	shalt  }
0x3e: {  	_ =	shalt  }
0x3f: {  	_ =	shalt  }
0x40: {  	_ =	shalt  }
0x41: {  	_ =	shalt  }
0x42: {  	_ =	shalt  }
0x43: {  	_ =	shalt  }
0x44: {  	_ =	shalt  }
0x45: {  	_ =	shalt  }
0x46: {  	_ =	shalt  }
0x47: {  	_ =	shalt  }
0x48: {  	_ =	shalt  }
0x49: {  	_ =	shalt  }
0x4a: {  	_ =	shalt  }
0x4b: {  	_ =	shalt  }
0x4c: {  	_ =	shalt  }
0x4d: {  	_ =	shalt  }
0x4e: {  	_ =	shalt  }
0x4f: {  	_ =	shalt  }
0x50: {  	_ =	shalt  }
0x51: {  	_ =	shalt  }
0x52: {  	_ =	shalt  }
0x53: {  	_ =	shalt  }
0x54: {  	_ =	shalt  }
0x55: {  	_ =	shalt  }
0x56: {  	_ =	shalt  }
0x57: {  	_ =	shalt  }
0x58: {  	_ =	shalt  }
0x59: {  	_ =	shalt  }
0x5a: {  	_ =	shalt  }
0x5b: {  	_ =	shalt  }
0x5c: {  	_ =	shalt  }
0x5d: {  	_ =	shalt  }
0x5e: {  	_ =	shalt  }
0x5f: {  	_ =	shalt  }
0x60: {  	_ =	shalt  }
0x61: {  	_ =	shalt  }
0x62: {  	_ =	shalt  }
0x63: {  	_ =	shalt  }
0x64: {  	_ =	shalt  }
0x65: {  	_ =	shalt  }
0x66: {  	_ =	shalt  }
0x67: {  	_ =	shalt  }
0x68: {  	_ =	shalt  }
0x69: {  	_ =	shalt  }
0x6a: {  	_ =	shalt  }
0x6b: {  	_ =	shalt  }
0x6c: {  	_ =	shalt  }
0x6d: {  	_ =	shalt  }
0x6e: {  	_ =	shalt  }
0x6f: {  	_ =	shalt  }
0x70: {  	_ =	shalt  }
0x71: {  	_ =	shalt  }
0x72: {  	_ =	shalt  }
0x73: {  	_ =	shalt  }
0x74: {  	_ =	shalt  }
0x75: {  	_ =	shalt  }
0x76: {  	_ =	shalt  }
0x77: {  	_ =	shalt  }
0x78: {  	_ =	shalt  }
0x79: {  	_ =	shalt  }
0x7a: {  	_ =	shalt  }
0x7b: {  	_ =	shalt  }
0x7c: {  	_ =	shalt  }
0x7d: {  	_ =	shalt  }
0x7e: {  	_ =	shalt  }
0x7f: {  	_ =	shalt  }
0x80: {  	_ =	shalt  }
0x81: {  	_ =	shalt  }
0x82: {  	_ =	shalt  }
0x83: {  	_ =	shalt  }
0x84: {  	_ =	shalt  }
0x85: {  	_ =	shalt  }
0x86: {  	_ =	shalt  }
0x87: {  	_ =	shalt  }
.Lfunc_end0:
.L_simem_size_0:
called_computation_lowered:
.L_overlay_start_0:
0x88: {  	s2 =	sld [smem:$0x3FD9]  }
0x89: {  	s3 =	sld [smem:$0x3FFE];
	_ =	sdelay $0x1  }
0x8a: {  	s1 =	srdreg.scid  }
0x8b: {  	s0 =	sand.u32 $0x1, s1  }
0x8c: {  	s18 =	sshll.u32 s0, $0xA;
	s2 =	sadd.s32 s3, s2  }
0x8d: {  	s2 =	sadd.s32 s2, s18  }
0x8e: {  	[smem:$0x3FB8] =	sst s2  }
0x8f: {  	_ = 	snop  }
0x90: {  	s2 =	sld [smem:$0x3FC9]  }
0x91: {  	s19 =	sld [smem:$0x3FD0];
	(tm) =	ssettm $0x1  }
0x92: {  	s4 =	sld [smem:$0x3FFB];
	_ =	sdelay $0x3  }
0x93: {  	_ =	strace s4  }
0x94: {  	s4 =	sld [smem:$0x3FFC];
	_ =	sdelay $0x3  }
0x95: {  	_ =	strace s4  }
0x96: {  	s4 =	sld [smem:$0x3FFD];
	_ =	sdelay $0x3  }
0x97: {  	_ =	strace s4  }
0x98: {  	_ =	strace $0x8FFFFFFF  }
0x99: {  	s20 =	sld [smem:$0x3FDB];
	_ =	sdelay $0x1  }
0x9a: {  	s5 =	simm.s32 $_scs_section_size  }
0x9b: {  	s6 =	simm.s32 $_size__tile_overlayer_lowered;
	s7 =	simm.s32 $_tile_overlayer_lowered  }
0x9c: {  	s23 =	simm.s32 $0x1BFF;
	s22 =	sshll.u32 s7, $0x1;
	s4 =	sadd.s32 s5, s20  }
0x9d: {  	s8 =	simm.s32 $0x0;
	s21 =	sshll.u32 s6, $0x1;
	s6 =	sadd.s32 s22, s4  }
0x9e: {  	[timem:s8], [sflag:s23] =	dma.local [hbm:s6], s21  }
0x9f: {  	_ =	swait.ge [sflag:s23], s21  }
0xa0: {  	s5 =	ssub.s32 $0x0, s21;
	[sflag:s23] =	ssyncset.done $0x0  }
0xa1: {  	[sflag:s23] =	ssyncadd.s32 s5;
	_ =	sdelay $0x1  }
0xa2: {  	s24 =	simm.s32 $0x1B8B  }
0xa3: {  	_ =	swait.ge [sflag:s24], $0x1  }
0xa4: {  	[sflag:s24] =	ssyncset.done $0x0  }
0xa5: {  	s25 =	simm.s32 $0x1B8E;
	[sflag:s24] =	ssyncadd.s32 $0xFFFFFFFF  }
0xa6: {  	s26 =	simm.s32 $execute0_lowered;
	[smem:$0x3FD2] =	sst s25  }
0xa7: {  	s5 =	sshll.u32 s26, $0x1;
	_ =	strace $0x80000046;
	[dreg:$0x1] =	wrdreg $0xFFFFFFFF  }
0xa8: {  	s28 =	simm.s32 $_size_execute0_lowered;
	s4 =	sadd.s32 s4, s5;
	[dreg:$0x0] =	wrdreg $0x0  }
0xa9: {  	s5 =	sshll.u32 s28, $0x1;
	[dreg:$0x2] =	wrdreg s4  }
0xaa: {  	[dreg:$0x3] =	wrdreg s5  }
0xab: {  	[dreg:$0x4] =	wrdreg $0xC0  }
0xac: {  	_ =	task [dreg:s8], $0x5FFFF  }
0xad: {  	[dreg:$0x1] =	wrdreg $0xFFFFFFFF  }
0xae: {  	[dreg:$0x0] =	wrdreg $0x60  }
0xaf: {  	[dreg:$0x2] =	wrdreg s2  }
0xb0: {  	[dreg:$0x3] =	wrdreg s19  }
0xb1: {  	[dreg:$0x4] =	wrdreg $0x9  }
0xb2: {  	_ =	task.clear_ibuf [dreg:s8], $0x5FFFF;
	_ =	strace $0x90000046  }
0xb3: {  	s29 =	simm.s32 $0x9;
	_ =	strace $0x80000048  }
0xb4: {  	_ =	swait.ge [sflag:s29], $0x1  }
0xb5: {  	[sflag:s29] =	ssyncadd.s32 $0xFFFFFFFF  }
0xb6: {  	_ =	strace $0x90000048  }
0xb7: {  	_ =	sfence  }
0xb8: {  	s30 =	sld [smem:$0x0];
	_ =	sdelay $0x2  }
0xb9: {  	s31 =	sshll.u32 s1, $0xD;
	s1 =	sshrl.u32 s1, $0x2  }
0xba: {  	s3 =	sand.u32 $0x4000, s31;
	s1 =	sadd.s32 s1, s30  }
0xbb: {  	s0 =	sor.u32 s3, s0;
	s1 =	sshll.u32 s1, $0x11  }
0xbc: {  	s0 =	sor.u32 s1, s0  }
0xbd: {  	s0 =	sadd.s32 $0x8F2B, s0  }
0xbe: {  	[sflag:s0] =	ssyncadd.remote.s32 $0x1  }
0xbf: {  	_ =	sfence.sel $0xFFFF  }
0xc0: {  	[dreg:$0x0] =	wrdreg $0xFFFFFFFF;
	(pc) =	sbr.abs _section_cstart, $3  }
0xc1: {  	[dreg:$0x1] =	wrdreg $0xFFFFFFFF  }
0xc2: {  	_ =	task.clear_ibuf [dreg:s8], $0x2FFFF;
	_ =	strace $0x9FFFFFFF  }
0xc3: {  	(tm) =	ssettm $0x7FFFFFFF  }
tec
execute0_lowered:
.L_overlay_start_1:
0x0: {  	(tag) =	ssettag $0x1  }
0x1: {  	s3 =	rddreg [dreg:$0x0]  }
0x2: {  	s5 =	rddreg [dreg:$0x1]  }
0x3: {  	s2 =	srdreg.scid;
	s0 =	rddreg [dreg:$0x2]  }
0x4: {  	s1 =	stileid.u32;
	s4 =	sand.u32 $0x1, s2;
	s2 =	simm.s32 $0x0  }
0x5: {  	s6 =	sshll.u32 s1, $0xA;
	s7 =	sshll.u32 s4, $0x9;
	s30 =	ssub.s32 $0x2, s4  }
0x6: {  	[smem:$0x7FF] =	sst s2;
	s6 =	sor.u32 s7, s6;
	s8 =	sshrl.u32 s30, $0x1  }
0x7: {  	s4 =	simm.s32 $0x1;
	s31 =	sshrl.u32 s6, $0x3;
	s7 =	ssub.s32 s30, s8  }
0x8: {  	_ =	strace $0x80000047;
	s3 =	sadd.s32 s3, s31;
	s8 =	smax.u32 s7, $0x1  }
0x9: {  	[tilespmem:s2], [sflag:$0x1] =	stream.linear.gather [hbm4b:s3+s2], $0x200, $0x38;
	[tilespmem:$0x4200] =	vst v63  }
0xa: {  	s6 =	sshll.u32 s6, $0x2;
	p0 =	sne.s32 s8, $0x1;
	_ =	swait.ge [sflag:s4], $0x200  }
.Ltmp0:
0xb: {  	s5 =	sadd.s32 s5, s6;
	[sflag:s4] =	ssyncset.done $0x0;
	(pc) =	sbr.rel @!p0 .LBB2_2-.Ltmp0, $4  }
0xc: {  	s7 =	simm.s32 $0x200;
	s6 =	simm.s32 $0x2;
	[sflag:s4] =	ssyncadd.s32 $0xFFFFFE00  }
0xd: {  	[hbm4b:s5+s2] =	stream.linear.scatter [tilespmem:s7], [sflag:$0x2], $0x4000, $0x38;
	[tilespmem:$0x4200] =	vst v63  }
0xe: {  	_ =	swait.ge [sflag:s6], $0x4000  }
0xf: {  	s8 =	sadd.s32 $0xFFFFFFFF, s8;
	[sflag:s6] =	ssyncset.done $0x0  }
.LBB2_1:
0x10: {  	p0 =	sne.s32 s8, $0x1;
	s8 =	sadd.s32 $0xFFFFFFFF, s8;
	[sflag:s6] =	ssyncadd.s32 $0xFFFFC000  }
0x11: {  	[tilespmem:s2], [sflag:$0x1] =	stream.linear.gather [hbm4b:s3+s2], $0x200, $0x38;
	[tilespmem:$0x4200] =	vst v63  }
0x12: {  	_ =	swait.ge [sflag:s4], $0x200  }
.Ltmp1:
0x13: {  	[sflag:s4] =	ssyncset.done $0x0;
	(pc) =	sbr.rel @p0 .LBB2_1-.Ltmp1, $4  }
0x14: {  	[sflag:s4] =	ssyncadd.s32 $0xFFFFFE00  }
0x15: {  	[hbm4b:s5+s2] =	stream.linear.scatter [tilespmem:s7], [sflag:$0x2], $0x4000, $0x38;
	[tilespmem:$0x4200] =	vst v63  }
0x16: {  	_ =	swait.ge [sflag:s6], $0x4000  }
0x17: {  	[sflag:s6] =	ssyncset.done $0x0  }
.LBB2_2:
0x18: {  	[sflag:s6] =	ssyncadd.s32 $0xFFFFC000  }
0x19: {  	_ =	sfence.sel $0x180000  }
0x1a: {  	[bflag:$0x0] =	sbarrier.arrive $0xFFFF  }
0x1b: {  	p0 =	sne.s32 s1, $0x0;
	_ =	strace $0x90000047  }
0x1c: {  	s0 =	sadd.s32 @!p0 $0x100000, s0;
	[bflag:$0x2] =	sbarrier.arrive $0xFFFF  }
0x1d: {  	[sflag:s0] =	ssyncadd.tile.s32 @!p0 $0x1;
	_ =	shalt  }
.Lfunc_end2:
_tile_overlayer_lowered:
.L_overlay_start_2:
0x1e: {  	(tag) =	ssettag $0x2  }
0x1f: {  	s0 =	rddreg [dreg:$0x0];
	s2 =	stileid.u32  }
0x20: {  	s1 =	rddreg [dreg:$0x1];
	p0 =	sne.s32 s2, $0x0  }
0x21: {  	s3 =	rddreg [dreg:$0x2];
	[bflag:$0x3] =	sbarrier.arrive $0xFFFF;
	s2 =	simm.s32 @!p0 $0x1C03  }
0x22: {  	[timem:s3], [sflag:s2] =	dma.local @!p0 [hbm:s0], s1  }
0x23: {  	s0 =	simm.s32 @!p0 $0x3  }
0x24: {  	_ =	swait.ge @!p0 [sflag:s0], s1  }
0x25: {  	s1 =	ssub.s32 @!p0 $0x0, s1;
	[sflag:s0] =	ssyncset.done @!p0 $0x0  }
0x26: {  	[sflag:s0] =	ssyncadd.s32 @!p0 s1  }
0x27: {  	[bflag:$0x3] =	sbarrier.arrive $0xFFFF  }
0x28: {  	_ =	shalt  }

</sc_bundles>
